<compile_context>
chip_gen: v7x
topology: tpu7x:2x2x1
jax: 0.10.2.dev20260603
libtpu: 0.0.44.dev20260713+nightly
codegen_flags: <defaults>
</compile_context>

<pallas_src>
import functools

import jax
import jax.numpy as jnp
from jax import lax
from jax.experimental import pallas as pl
from jax.experimental.pallas import tpu as pltpu
from jax.experimental.pallas import tpu_sc as plsc

_W_GRID = 56


def _decode_rc(c_i32):
    cf = c_i32.astype(jnp.float32)
    r = jnp.floor(cf / _W_GRID)
    q = cf - r * _W_GRID
    return r, q


def _adj_body(cc_ref, cr_ref, out_ref):
    ci = cc_ref[...]
    cj = cr_ref[...]
    ri, qi = _decode_rc(ci)
    rj, qj = _decode_rc(cj)
    dr = ri - rj
    dq = qi - qj
    out_ref[...] = jnp.sqrt(dr * dr + dq * dq)


def _adjacency(top_coords):
    B, K = top_coords.shape
    cc = top_coords.reshape(B, K, 1)
    cr = top_coords.reshape(B, 1, K)
    return pl.pallas_call(
        _adj_body,
        out_shape=jax.ShapeDtypeStruct((B, K, K), jnp.float32),
    )(cc, cr)


@functools.cache
def _make_sc_gather(BK, D, K, N):
    info = plsc.get_sparse_core_info()
    NC, NS = info.num_cores, info.num_subcores
    NW = NC * NS
    b_per_w = BK // NW
    mesh = plsc.VectorSubcoreMesh(core_axis_name="c", subcore_axis_name="s")

    CH = 4
    rpc = b_per_w // CH

    @functools.partial(
        pl.kernel,
        mesh=mesh,
        out_type=jax.ShapeDtypeStruct((BK, D), jnp.float32),
        scratch_types=[
            pltpu.VMEM((b_per_w,), jnp.int32),
            pltpu.VMEM((b_per_w, D), jnp.float32),
        ]
        + [pltpu.SemaphoreType.DMA] * (CH + 1),
    )
    def gather_k(feat_hbm, idx_hbm, out_hbm, idx_v, rows_v, *sems):
        gsems, wsem = sems[:CH], sems[CH]
        wid = lax.axis_index("s") * NC + lax.axis_index("c")
        base = wid * b_per_w
        pltpu.sync_copy(idx_hbm.at[pl.ds(base, b_per_w)], idx_v)
        offset = (base // K) * N
        for i in range(b_per_w // 16):
            sl = pl.ds(i * 16, 16)
            idx_v[sl] = idx_v[sl] + offset
        gathers = []
        for c in range(CH):
            sl = pl.ds(c * rpc, rpc)
            gathers.append(
                pltpu.async_copy(feat_hbm.at[idx_v.at[sl]], rows_v.at[sl], gsems[c])
            )
        writes = []
        for c in range(CH):
            gathers[c].wait()
            sl = pl.ds(c * rpc, rpc)
            writes.append(
                pltpu.async_copy(rows_v.at[sl], out_hbm.at[pl.ds(base + c * rpc, rpc)], wsem)
            )
        for w in writes:
            w.wait()

    return gather_k


def kernel(features, top_coords):
    B, N, C = features.shape
    K = top_coords.shape[1]
    feat_flat = features.reshape(B * N, C)
    idx_flat = top_coords.reshape(B * K)
    gathered = _make_sc_gather(B * K, C, K, N)(feat_flat, idx_flat)
    node_features = gathered.reshape(B, K, C)
    adj_mat = _adjacency(top_coords)
    return (node_features, adj_mat)

# --- scband reference (transcript-rebuilt; emitter-appended) ---
"""Pipeline reference for scband-cnn-to-graph-56538949484910 (READ-ONLY COPY).

The authoritative reference and input builder live on the scoring server;
editing this copy changes nothing except your own understanding.
"""

import jax, jax.numpy as jnp
import numpy as np

W_GRID = 56  # feature map width (3136 = 56 * 56 flat spatial positions)


def get_locs_tensor(top_coords):
    # Decode flat spatial indices into (row, col) 2D coordinates.
    rows = (top_coords // W_GRID).astype(jnp.float32)
    cols = (top_coords % W_GRID).astype(jnp.float32)
    return jnp.stack([rows, cols], axis=-1)  # [B, K, 2]


def get_dist_mat(key_locs):
    # Pairwise Euclidean distance matrix between keypoint locations.
    diff = key_locs[:, :, None, :] - key_locs[:, None, :, :]  # [B, K, K, 2]
    return jnp.sqrt(jnp.sum(diff * diff, axis=-1))  # [B, K, K]


def setup_inputs(seed: int = 0) -> dict:
    key = jax.random.key(seed)
    k1, k2 = jax.random.split(key)
    features = jax.random.normal(k1, (16, 3136, 128), dtype=jnp.float32)
    top_coords = jax.random.randint(k2, (16, 256), 0, 3136, dtype=jnp.int32)
    return {"features": features, "top_coords": top_coords}


def reference(features, top_coords):
    key_locs = get_locs_tensor(top_coords)
    adj_mat = get_dist_mat(key_locs)
    # top_coords.unsqueeze(2).repeat(1, 1, 128) then torch.gather(features, 1, idx)
    idx = jnp.repeat(top_coords[:, :, None], features.shape[2], axis=2)  # [B, K, C]
    node_features = jnp.take_along_axis(features, idx, axis=1)  # [B, K, C]
    return (node_features, adj_mat)

if __name__ == "__main__":
    import jax
    _d = setup_inputs()
    print(jax.jit(kernel)(*tuple(_d.values())))

</pallas_src>

<mosaic_0001>
#map = affine_map<(d0, d1) -> (0, 0)>
#map1 = affine_map<(d0, d1) -> (0)>
module attributes {stable_mosaic.version = 14 : i64} {
  func.func @gather_k(%arg0: i32, %arg1: i32, %arg2: memref<50176x128xf32, #tpu.memory_space<hbm>>, %arg3: memref<4096xi32, #tpu.memory_space<hbm>>, %arg4: memref<4096x128xf32, #tpu.memory_space<hbm>>, %arg5: memref<128xi32, #tpu.memory_space<vmem>>, %arg6: memref<128x128xf32, #tpu.memory_space<vmem>>, %arg7: memref<!tpu.dma_semaphore, #tpu.memory_space<semaphore_mem>>, %arg8: memref<!tpu.dma_semaphore, #tpu.memory_space<semaphore_mem>>, %arg9: memref<!tpu.dma_semaphore, #tpu.memory_space<semaphore_mem>>, %arg10: memref<!tpu.dma_semaphore, #tpu.memory_space<semaphore_mem>>, %arg11: memref<!tpu.dma_semaphore, #tpu.memory_space<semaphore_mem>>) attributes {dimension_semantics = [#tpu.dimension_semantics<core_parallel>, #tpu.dimension_semantics<subcore_parallel>], iteration_bounds = array<i64: 2, 16>, scalar_prefetch = 0 : i64, scratch_operands = 7 : i64, tpu.core_type = #tpu.core_type<sc_vector_subcore>, window_params = [{transform_indices = #map}, {transform_indices = #map1}, {transform_indices = #map}]} {
    %mul3A = arith.constant 2 : i32
    %mul3A_0 = arith.muli %arg1, %mul3A : i32
    %add3A = arith.addi %mul3A_0, %arg0 : i32
    %mul3A_1 = arith.constant 128 : i32
    %mul3A_2 = arith.muli %add3A, %mul3A_1 : i32
    "tpu.region"() ({
      %run_scoped3A = tpu.sem_alloc : memref<!tpu.dma_semaphore, #tpu.memory_space<semaphore_mem>>
      %dma_start3A_241 = tpu.memref_slice %arg3[%mul3A_2] : memref<4096xi32, #tpu.memory_space<hbm>> -> memref<128xi32, #tpu.memory_space<hbm>>
      %dma_start3A_242 = tpu.memref_slice %arg3[%mul3A_2] : memref<4096xi32, #tpu.memory_space<hbm>> -> memref<128xi32, #tpu.memory_space<hbm>>
      tpu.enqueue_dma source(%dma_start3A_242 : memref<128xi32, #tpu.memory_space<hbm>>) target(%arg5 : memref<128xi32, #tpu.memory_space<vmem>>) target_semaphore(%run_scoped3A : memref<!tpu.dma_semaphore, #tpu.memory_space<semaphore_mem>>)
      %dma_wait3A_243 = tpu.memref_slice %arg3[%mul3A_2] : memref<4096xi32, #tpu.memory_space<hbm>> -> memref<128xi32, #tpu.memory_space<hbm>>
      %dma_wait3A_244 = tpu.memref_slice %arg3[%mul3A_2] : memref<4096xi32, #tpu.memory_space<hbm>> -> memref<128xi32, #tpu.memory_space<hbm>>
      tpu.wait_dma2 semaphore(%run_scoped3A : memref<!tpu.dma_semaphore, #tpu.memory_space<semaphore_mem>>) src(%dma_wait3A_244 : memref<128xi32, #tpu.memory_space<hbm>>) dst(%arg5 : memref<128xi32, #tpu.memory_space<vmem>>)
      tpu.yield
    }) : () -> ()
    %jit3A = arith.constant 256 : i32
    %div3A = arith.divsi %mul3A_2, %jit3A : i32
    %sign3A = arith.constant 0 : i32
    %sign3A_3 = arith.cmpi sgt, %mul3A_2, %sign3A : i32
    %sign3A_4 = arith.extui %sign3A_3 : i1 to i32
    %sign3A_5 = arith.constant 0 : i32
    %sign3A_6 = arith.cmpi slt, %mul3A_2, %sign3A_5 : i32
    %sign3A_7 = arith.extui %sign3A_6 : i1 to i32
    %sign3A_8 = arith.subi %sign3A_4, %sign3A_7 : i32
    %sign3A_9 = arith.constant 0 : i32
    %sign3A_10 = arith.cmpi sgt, %jit3A, %sign3A_9 : i32
    %sign3A_11 = arith.extui %sign3A_10 : i1 to i32
    %sign3A_12 = arith.constant 0 : i32
    %sign3A_13 = arith.cmpi slt, %jit3A, %sign3A_12 : i32
    %sign3A_14 = arith.extui %sign3A_13 : i1 to i32
    %sign3A_15 = arith.subi %sign3A_11, %sign3A_14 : i32
    %ne3A = arith.cmpi ne, %sign3A_8, %sign3A_15 : i32
    %rem3A = arith.remsi %mul3A_2, %jit3A : i32
    %ne3A_16 = arith.constant 0 : i32
    %ne3A_17 = arith.cmpi ne, %rem3A, %ne3A_16 : i32
    %and3A = arith.andi %ne3A, %ne3A_17 : i1
    %sub3A = arith.constant 1 : i32
    %sub3A_18 = arith.subi %div3A, %sub3A : i32
    %select_n3A = arith.select %and3A, %sub3A_18, %div3A : i32
    %mul3A_19 = arith.constant 3136 : i32
    %mul3A_20 = arith.muli %select_n3A, %mul3A_19 : i32
    %get3A = arith.constant 0 : index
    %get3A_21 = tpu.vector_load %arg5[%get3A] {strides = array<i32>} : memref<128xi32, #tpu.memory_space<vmem>>, vector<16xi32>,
    %get3A_22 = vector.shape_cast %get3A_21 : vector<16xi32> to vector<16xi32>
    %add3A_23 = vector.broadcast %mul3A_20 : i32 to vector<16xi32>
    %add3A_24 = arith.addi %get3A_22, %add3A_23 : vector<16xi32>
    %swap3A = arith.constant 0 : index
    %swap3A_25 = tpu.vector_load %arg5[%swap3A] {strides = array<i32>} : memref<128xi32, #tpu.memory_space<vmem>>, vector<16xi32>,
    %swap3A_26 = vector.shape_cast %swap3A_25 : vector<16xi32> to vector<16xi32>
    %swap3A_27 = vector.shape_cast %add3A_24 : vector<16xi32> to vector<16xi32>
    tpu.vector_store %arg5[%swap3A], %swap3A_27 {strides = array<i32>} : memref<128xi32, #tpu.memory_space<vmem>>, vector<16xi32>,
    %get3A_28 = arith.constant 16 : index
    %get3A_29 = tpu.vector_load %arg5[%get3A_28] {strides = array<i32>} : memref<128xi32, #tpu.memory_space<vmem>>, vector<16xi32>,
    %get3A_30 = vector.shape_cast %get3A_29 : vector<16xi32> to vector<16xi32>
    %add3A_31 = vector.broadcast %mul3A_20 : i32 to vector<16xi32>
    %add3A_32 = arith.addi %get3A_30, %add3A_31 : vector<16xi32>
    %swap3A_33 = arith.constant 16 : index
    %swap3A_34 = tpu.vector_load %arg5[%swap3A_33] {strides = array<i32>} : memref<128xi32, #tpu.memory_space<vmem>>, vector<16xi32>,
    %swap3A_35 = vector.shape_cast %swap3A_34 : vector<16xi32> to vector<16xi32>
    %swap3A_36 = vector.shape_cast %add3A_32 : vector<16xi32> to vector<16xi32>
    tpu.vector_store %arg5[%swap3A_33], %swap3A_36 {strides = array<i32>} : memref<128xi32, #tpu.memory_space<vmem>>, vector<16xi32>,
    %get3A_37 = arith.constant 32 : index
    %get3A_38 = tpu.vector_load %arg5[%get3A_37] {strides = array<i32>} : memref<128xi32, #tpu.memory_space<vmem>>, vector<16xi32>,
    %get3A_39 = vector.shape_cast %get3A_38 : vector<16xi32> to vector<16xi32>
    %add3A_40 = vector.broadcast %mul3A_20 : i32 to vector<16xi32>
    %add3A_41 = arith.addi %get3A_39, %add3A_40 : vector<16xi32>
    %swap3A_42 = arith.constant 32 : index
    %swap3A_43 = tpu.vector_load %arg5[%swap3A_42] {strides = array<i32>} : memref<128xi32, #tpu.memory_space<vmem>>, vector<16xi32>,
    %swap3A_44 = vector.shape_cast %swap3A_43 : vector<16xi32> to vector<16xi32>
    %swap3A_45 = vector.shape_cast %add3A_41 : vector<16xi32> to vector<16xi32>
    tpu.vector_store %arg5[%swap3A_42], %swap3A_45 {strides = array<i32>} : memref<128xi32, #tpu.memory_space<vmem>>, vector<16xi32>,
    %get3A_46 = arith.constant 48 : index
    %get3A_47 = tpu.vector_load %arg5[%get3A_46] {strides = array<i32>} : memref<128xi32, #tpu.memory_space<vmem>>, vector<16xi32>,
    %get3A_48 = vector.shape_cast %get3A_47 : vector<16xi32> to vector<16xi32>
    %add3A_49 = vector.broadcast %mul3A_20 : i32 to vector<16xi32>
    %add3A_50 = arith.addi %get3A_48, %add3A_49 : vector<16xi32>
    %swap3A_51 = arith.constant 48 : index
    %swap3A_52 = tpu.vector_load %arg5[%swap3A_51] {strides = array<i32>} : memref<128xi32, #tpu.memory_space<vmem>>, vector<16xi32>,
    %swap3A_53 = vector.shape_cast %swap3A_52 : vector<16xi32> to vector<16xi32>
    %swap3A_54 = vector.shape_cast %add3A_50 : vector<16xi32> to vector<16xi32>
    tpu.vector_store %arg5[%swap3A_51], %swap3A_54 {strides = array<i32>} : memref<128xi32, #tpu.memory_space<vmem>>, vector<16xi32>,
    %get3A_55 = arith.constant 64 : index
    %get3A_56 = tpu.vector_load %arg5[%get3A_55] {strides = array<i32>} : memref<128xi32, #tpu.memory_space<vmem>>, vector<16xi32>,
    %get3A_57 = vector.shape_cast %get3A_56 : vector<16xi32> to vector<16xi32>
    %add3A_58 = vector.broadcast %mul3A_20 : i32 to vector<16xi32>
    %add3A_59 = arith.addi %get3A_57, %add3A_58 : vector<16xi32>
    %swap3A_60 = arith.constant 64 : index
    %swap3A_61 = tpu.vector_load %arg5[%swap3A_60] {strides = array<i32>} : memref<128xi32, #tpu.memory_space<vmem>>, vector<16xi32>,
    %swap3A_62 = vector.shape_cast %swap3A_61 : vector<16xi32> to vector<16xi32>
    %swap3A_63 = vector.shape_cast %add3A_59 : vector<16xi32> to vector<16xi32>
    tpu.vector_store %arg5[%swap3A_60], %swap3A_63 {strides = array<i32>} : memref<128xi32, #tpu.memory_space<vmem>>, vector<16xi32>,
    %get3A_64 = arith.constant 80 : index
    %get3A_65 = tpu.vector_load %arg5[%get3A_64] {strides = array<i32>} : memref<128xi32, #tpu.memory_space<vmem>>, vector<16xi32>,
    %get3A_66 = vector.shape_cast %get3A_65 : vector<16xi32> to vector<16xi32>
    %add3A_67 = vector.broadcast %mul3A_20 : i32 to vector<16xi32>
    %add3A_68 = arith.addi %get3A_66, %add3A_67 : vector<16xi32>
    %swap3A_69 = arith.constant 80 : index
    %swap3A_70 = tpu.vector_load %arg5[%swap3A_69] {strides = array<i32>} : memref<128xi32, #tpu.memory_space<vmem>>, vector<16xi32>,
    %swap3A_71 = vector.shape_cast %swap3A_70 : vector<16xi32> to vector<16xi32>
    %swap3A_72 = vector.shape_cast %add3A_68 : vector<16xi32> to vector<16xi32>
    tpu.vector_store %arg5[%swap3A_69], %swap3A_72 {strides = array<i32>} : memref<128xi32, #tpu.memory_space<vmem>>, vector<16xi32>,
    %get3A_73 = arith.constant 96 : index
    %get3A_74 = tpu.vector_load %arg5[%get3A_73] {strides = array<i32>} : memref<128xi32, #tpu.memory_space<vmem>>, vector<16xi32>,
    %get3A_75 = vector.shape_cast %get3A_74 : vector<16xi32> to vector<16xi32>
    %add3A_76 = vector.broadcast %mul3A_20 : i32 to vector<16xi32>
    %add3A_77 = arith.addi %get3A_75, %add3A_76 : vector<16xi32>
    %swap3A_78 = arith.constant 96 : index
    %swap3A_79 = tpu.vector_load %arg5[%swap3A_78] {strides = array<i32>} : memref<128xi32, #tpu.memory_space<vmem>>, vector<16xi32>,
    %swap3A_80 = vector.shape_cast %swap3A_79 : vector<16xi32> to vector<16xi32>
    %swap3A_81 = vector.shape_cast %add3A_77 : vector<16xi32> to vector<16xi32>
    tpu.vector_store %arg5[%swap3A_78], %swap3A_81 {strides = array<i32>} : memref<128xi32, #tpu.memory_space<vmem>>, vector<16xi32>,
    %get3A_82 = arith.constant 112 : index
    %get3A_83 = tpu.vector_load %arg5[%get3A_82] {strides = array<i32>} : memref<128xi32, #tpu.memory_space<vmem>>, vector<16xi32>,
    %get3A_84 = vector.shape_cast %get3A_83 : vector<16xi32> to vector<16xi32>
    %add3A_85 = vector.broadcast %mul3A_20 : i32 to vector<16xi32>
    %add3A_86 = arith.addi %get3A_84, %add3A_85 : vector<16xi32>
    %swap3A_87 = arith.constant 112 : index
    %swap3A_88 = tpu.vector_load %arg5[%swap3A_87] {strides = array<i32>} : memref<128xi32, #tpu.memory_space<vmem>>, vector<16xi32>,
    %swap3A_89 = vector.shape_cast %swap3A_88 : vector<16xi32> to vector<16xi32>
    %swap3A_90 = vector.shape_cast %add3A_86 : vector<16xi32> to vector<16xi32>
    tpu.vector_store %arg5[%swap3A_87], %swap3A_90 {strides = array<i32>} : memref<128xi32, #tpu.memory_space<vmem>>, vector<16xi32>,
    %dma_start3A = arith.constant 0 : i32
    %dma_start3A_91 = arith.constant 0 : i32
    %dma_start3A_92 = tpu.memref_slice %arg6[%dma_start3A, %dma_start3A_91] : memref<128x128xf32, #tpu.memory_space<vmem>> -> memref<32x128xf32, #tpu.memory_space<vmem>>
    %dma_start3A_93 = arith.constant 0 : i32
    %dma_start3A_94 = tpu.memref_slice %arg5[%dma_start3A_93] : memref<128xi32, #tpu.memory_space<vmem>> -> memref<32xi32, #tpu.memory_space<vmem>>
    %dma_start3A_95 = arith.constant 0 : i32
    %dma_start3A_96 = arith.constant 0 : i32
    %dma_start3A_97 = tpu.memref_slice %arg2[%dma_start3A_95, %dma_start3A_96] : memref<50176x128xf32, #tpu.memory_space<hbm>> -> memref<50176x128xf32, #tpu.memory_space<hbm>>
    tpu.enqueue_indirect_dma source(%dma_start3A_97 : memref<50176x128xf32, #tpu.memory_space<hbm>>) target(%dma_start3A_92 : memref<32x128xf32, #tpu.memory_space<vmem>>) offsets(%dma_start3A_94 : memref<32xi32, #tpu.memory_space<vmem>>) semaphore(%arg7 : memref<!tpu.dma_semaphore, #tpu.memory_space<semaphore_mem>>)
    %dma_start3A_98 = arith.constant 32 : i32
    %dma_start3A_99 = arith.constant 0 : i32
    %dma_start3A_100 = tpu.memref_slice %arg6[%dma_start3A_98, %dma_start3A_99] : memref<128x128xf32, #tpu.memory_space<vmem>> -> memref<32x128xf32, #tpu.memory_space<vmem>>
    %dma_start3A_101 = arith.constant 32 : i32
    %dma_start3A_102 = tpu.memref_slice %arg5[%dma_start3A_101] : memref<128xi32, #tpu.memory_space<vmem>> -> memref<32xi32, #tpu.memory_space<vmem>>
    %dma_start3A_103 = arith.constant 0 : i32
    %dma_start3A_104 = arith.constant 0 : i32
    %dma_start3A_105 = tpu.memref_slice %arg2[%dma_start3A_103, %dma_start3A_104] : memref<50176x128xf32, #tpu.memory_space<hbm>> -> memref<50176x128xf32, #tpu.memory_space<hbm>>
    tpu.enqueue_indirect_dma source(%dma_start3A_105 : memref<50176x128xf32, #tpu.memory_space<hbm>>) target(%dma_start3A_100 : memref<32x128xf32, #tpu.memory_space<vmem>>) offsets(%dma_start3A_102 : memref<32xi32, #tpu.memory_space<vmem>>) semaphore(%arg8 : memref<!tpu.dma_semaphore, #tpu.memory_space<semaphore_mem>>)
    %dma_start3A_106 = arith.constant 64 : i32
    %dma_start3A_107 = arith.constant 0 : i32
    %dma_start3A_108 = tpu.memref_slice %arg6[%dma_start3A_106, %dma_start3A_107] : memref<128x128xf32, #tpu.memory_space<vmem>> -> memref<32x128xf32, #tpu.memory_space<vmem>>
    %dma_start3A_109 = arith.constant 64 : i32
    %dma_start3A_110 = tpu.memref_slice %arg5[%dma_start3A_109] : memref<128xi32, #tpu.memory_space<vmem>> -> memref<32xi32, #tpu.memory_space<vmem>>
    %dma_start3A_111 = arith.constant 0 : i32
    %dma_start3A_112 = arith.constant 0 : i32
    %dma_start3A_113 = tpu.memref_slice %arg2[%dma_start3A_111, %dma_start3A_112] : memref<50176x128xf32, #tpu.memory_space<hbm>> -> memref<50176x128xf32, #tpu.memory_space<hbm>>
    tpu.enqueue_indirect_dma source(%dma_start3A_113 : memref<50176x128xf32, #tpu.memory_space<hbm>>) target(%dma_start3A_108 : memref<32x128xf32, #tpu.memory_space<vmem>>) offsets(%dma_start3A_110 : memref<32xi32, #tpu.memory_space<vmem>>) semaphore(%arg9 : memref<!tpu.dma_semaphore, #tpu.memory_space<semaphore_mem>>)
    %dma_start3A_114 = arith.constant 96 : i32
    %dma_start3A_115 = arith.constant 0 : i32
    %dma_start3A_116 = tpu.memref_slice %arg6[%dma_start3A_114, %dma_start3A_115] : memref<128x128xf32, #tpu.memory_space<vmem>> -> memref<32x128xf32, #tpu.memory_space<vmem>>
    %dma_start3A_117 = arith.constant 96 : i32
    %dma_start3A_118 = tpu.memref_slice %arg5[%dma_start3A_117] : memref<128xi32, #tpu.memory_space<vmem>> -> memref<32xi32, #tpu.memory_space<vmem>>
    %dma_start3A_119 = arith.constant 0 : i32
    %dma_start3A_120 = arith.constant 0 : i32
    %dma_start3A_121 = tpu.memref_slice %arg2[%dma_start3A_119, %dma_start3A_120] : memref<50176x128xf32, #tpu.memory_space<hbm>> -> memref<50176x128xf32, #tpu.memory_space<hbm>>
    tpu.enqueue_indirect_dma source(%dma_start3A_121 : memref<50176x128xf32, #tpu.memory_space<hbm>>) target(%dma_start3A_116 : memref<32x128xf32, #tpu.memory_space<vmem>>) offsets(%dma_start3A_118 : memref<32xi32, #tpu.memory_space<vmem>>) semaphore(%arg10 : memref<!tpu.dma_semaphore, #tpu.memory_space<semaphore_mem>>)
    %dma_wait3A = arith.constant 0 : i32
    %dma_wait3A_122 = arith.constant 0 : i32
    %dma_wait3A_123 = tpu.memref_slice %arg6[%dma_wait3A, %dma_wait3A_122] : memref<128x128xf32, #tpu.memory_space<vmem>> -> memref<32x128xf32, #tpu.memory_space<vmem>>
    %dma_wait3A_124 = arith.constant 0 : i32
    %dma_wait3A_125 = tpu.memref_slice %arg5[%dma_wait3A_124] : memref<128xi32, #tpu.memory_space<vmem>> -> memref<32xi32, #tpu.memory_space<vmem>>
    %dma_wait3A_126 = arith.constant 0 : i32
    %dma_wait3A_127 = arith.constant 0 : i32
    %dma_wait3A_128 = tpu.memref_slice %arg2[%dma_wait3A_126, %dma_wait3A_127] : memref<50176x128xf32, #tpu.memory_space<hbm>> -> memref<50176x128xf32, #tpu.memory_space<hbm>>
    tpu.wait_indirect_dma semaphore(%arg7 : memref<!tpu.dma_semaphore, #tpu.memory_space<semaphore_mem>>) src(%dma_wait3A_128 : memref<50176x128xf32, #tpu.memory_space<hbm>>) dst(%dma_wait3A_123 : memref<32x128xf32, #tpu.memory_space<vmem>>)
    %add3A_129 = arith.constant 0 : i32
    %add3A_130 = arith.addi %mul3A_2, %add3A_129 : i32
    %dma_start3A_131 = arith.constant 0 : i32
    %dma_start3A_132 = arith.constant 0 : i32
    %dma_start3A_133 = tpu.memref_slice %arg6[%dma_start3A_131, %dma_start3A_132] : memref<128x128xf32, #tpu.memory_space<vmem>> -> memref<32x128xf32, #tpu.memory_space<vmem>>
    %dma_start3A_134 = arith.constant 0 : i32
    %dma_start3A_135 = tpu.memref_slice %arg4[%add3A_130, %dma_start3A_134] : memref<4096x128xf32, #tpu.memory_space<hbm>> -> memref<32x128xf32, #tpu.memory_space<hbm>>
    %dma_start3A_136 = arith.constant 0 : i32
    %dma_start3A_137 = tpu.memref_slice %arg4[%add3A_130, %dma_start3A_136] : memref<4096x128xf32, #tpu.memory_space<hbm>> -> memref<32x128xf32, #tpu.memory_space<hbm>>
    %dma_start3A_138 = arith.constant 0 : i32
    %dma_start3A_139 = arith.constant 0 : i32
    %dma_start3A_140 = tpu.memref_slice %arg6[%dma_start3A_138, %dma_start3A_139] : memref<128x128xf32, #tpu.memory_space<vmem>> -> memref<32x128xf32, #tpu.memory_space<vmem>>
    tpu.enqueue_dma source(%dma_start3A_140 : memref<32x128xf32, #tpu.memory_space<vmem>>) target(%dma_start3A_137 : memref<32x128xf32, #tpu.memory_space<hbm>>) target_semaphore(%arg11 : memref<!tpu.dma_semaphore, #tpu.memory_space<semaphore_mem>>)
    %dma_wait3A_141 = arith.constant 32 : i32
    %dma_wait3A_142 = arith.constant 0 : i32
    %dma_wait3A_143 = tpu.memref_slice %arg6[%dma_wait3A_141, %dma_wait3A_142] : memref<128x128xf32, #tpu.memory_space<vmem>> -> memref<32x128xf32, #tpu.memory_space<vmem>>
    %dma_wait3A_144 = arith.constant 32 : i32
    %dma_wait3A_145 = tpu.memref_slice %arg5[%dma_wait3A_144] : memref<128xi32, #tpu.memory_space<vmem>> -> memref<32xi32, #tpu.memory_space<vmem>>
    %dma_wait3A_146 = arith.constant 0 : i32
    %dma_wait3A_147 = arith.constant 0 : i32
    %dma_wait3A_148 = tpu.memref_slice %arg2[%dma_wait3A_146, %dma_wait3A_147] : memref<50176x128xf32, #tpu.memory_space<hbm>> -> memref<50176x128xf32, #tpu.memory_space<hbm>>
    tpu.wait_indirect_dma semaphore(%arg8 : memref<!tpu.dma_semaphore, #tpu.memory_space<semaphore_mem>>) src(%dma_wait3A_148 : memref<50176x128xf32, #tpu.memory_space<hbm>>) dst(%dma_wait3A_143 : memref<32x128xf32, #tpu.memory_space<vmem>>)
    %add3A_149 = arith.constant 32 : i32
    %add3A_150 = arith.addi %mul3A_2, %add3A_149 : i32
    %dma_start3A_151 = arith.constant 32 : i32
    %dma_start3A_152 = arith.constant 0 : i32
    %dma_start3A_153 = tpu.memref_slice %arg6[%dma_start3A_151, %dma_start3A_152] : memref<128x128xf32, #tpu.memory_space<vmem>> -> memref<32x128xf32, #tpu.memory_space<vmem>>
    %dma_start3A_154 = arith.constant 0 : i32
    %dma_start3A_155 = tpu.memref_slice %arg4[%add3A_150, %dma_start3A_154] : memref<4096x128xf32, #tpu.memory_space<hbm>> -> memref<32x128xf32, #tpu.memory_space<hbm>>
    %dma_start3A_156 = arith.constant 0 : i32
    %dma_start3A_157 = tpu.memref_slice %arg4[%add3A_150, %dma_start3A_156] : memref<4096x128xf32, #tpu.memory_space<hbm>> -> memref<32x128xf32, #tpu.memory_space<hbm>>
    %dma_start3A_158 = arith.constant 32 : i32
    %dma_start3A_159 = arith.constant 0 : i32
    %dma_start3A_160 = tpu.memref_slice %arg6[%dma_start3A_158, %dma_start3A_159] : memref<128x128xf32, #tpu.memory_space<vmem>> -> memref<32x128xf32, #tpu.memory_space<vmem>>
    tpu.enqueue_dma source(%dma_start3A_160 : memref<32x128xf32, #tpu.memory_space<vmem>>) target(%dma_start3A_157 : memref<32x128xf32, #tpu.memory_space<hbm>>) target_semaphore(%arg11 : memref<!tpu.dma_semaphore, #tpu.memory_space<semaphore_mem>>)
    %dma_wait3A_161 = arith.constant 64 : i32
    %dma_wait3A_162 = arith.constant 0 : i32
    %dma_wait3A_163 = tpu.memref_slice %arg6[%dma_wait3A_161, %dma_wait3A_162] : memref<128x128xf32, #tpu.memory_space<vmem>> -> memref<32x128xf32, #tpu.memory_space<vmem>>
    %dma_wait3A_164 = arith.constant 64 : i32
    %dma_wait3A_165 = tpu.memref_slice %arg5[%dma_wait3A_164] : memref<128xi32, #tpu.memory_space<vmem>> -> memref<32xi32, #tpu.memory_space<vmem>>
    %dma_wait3A_166 = arith.constant 0 : i32
    %dma_wait3A_167 = arith.constant 0 : i32
    %dma_wait3A_168 = tpu.memref_slice %arg2[%dma_wait3A_166, %dma_wait3A_167] : memref<50176x128xf32, #tpu.memory_space<hbm>> -> memref<50176x128xf32, #tpu.memory_space<hbm>>
    tpu.wait_indirect_dma semaphore(%arg9 : memref<!tpu.dma_semaphore, #tpu.memory_space<semaphore_mem>>) src(%dma_wait3A_168 : memref<50176x128xf32, #tpu.memory_space<hbm>>) dst(%dma_wait3A_163 : memref<32x128xf32, #tpu.memory_space<vmem>>)
    %add3A_169 = arith.constant 64 : i32
    %add3A_170 = arith.addi %mul3A_2, %add3A_169 : i32
    %dma_start3A_171 = arith.constant 64 : i32
    %dma_start3A_172 = arith.constant 0 : i32
    %dma_start3A_173 = tpu.memref_slice %arg6[%dma_start3A_171, %dma_start3A_172] : memref<128x128xf32, #tpu.memory_space<vmem>> -> memref<32x128xf32, #tpu.memory_space<vmem>>
    %dma_start3A_174 = arith.constant 0 : i32
    %dma_start3A_175 = tpu.memref_slice %arg4[%add3A_170, %dma_start3A_174] : memref<4096x128xf32, #tpu.memory_space<hbm>> -> memref<32x128xf32, #tpu.memory_space<hbm>>
    %dma_start3A_176 = arith.constant 0 : i32
    %dma_start3A_177 = tpu.memref_slice %arg4[%add3A_170, %dma_start3A_176] : memref<4096x128xf32, #tpu.memory_space<hbm>> -> memref<32x128xf32, #tpu.memory_space<hbm>>
    %dma_start3A_178 = arith.constant 64 : i32
    %dma_start3A_179 = arith.constant 0 : i32
    %dma_start3A_180 = tpu.memref_slice %arg6[%dma_start3A_178, %dma_start3A_179] : memref<128x128xf32, #tpu.memory_space<vmem>> -> memref<32x128xf32, #tpu.memory_space<vmem>>
    tpu.enqueue_dma source(%dma_start3A_180 : memref<32x128xf32, #tpu.memory_space<vmem>>) target(%dma_start3A_177 : memref<32x128xf32, #tpu.memory_space<hbm>>) target_semaphore(%arg11 : memref<!tpu.dma_semaphore, #tpu.memory_space<semaphore_mem>>)
    %dma_wait3A_181 = arith.constant 96 : i32
    %dma_wait3A_182 = arith.constant 0 : i32
    %dma_wait3A_183 = tpu.memref_slice %arg6[%dma_wait3A_181, %dma_wait3A_182] : memref<128x128xf32, #tpu.memory_space<vmem>> -> memref<32x128xf32, #tpu.memory_space<vmem>>
    %dma_wait3A_184 = arith.constant 96 : i32
    %dma_wait3A_185 = tpu.memref_slice %arg5[%dma_wait3A_184] : memref<128xi32, #tpu.memory_space<vmem>> -> memref<32xi32, #tpu.memory_space<vmem>>
    %dma_wait3A_186 = arith.constant 0 : i32
    %dma_wait3A_187 = arith.constant 0 : i32
    %dma_wait3A_188 = tpu.memref_slice %arg2[%dma_wait3A_186, %dma_wait3A_187] : memref<50176x128xf32, #tpu.memory_space<hbm>> -> memref<50176x128xf32, #tpu.memory_space<hbm>>
    tpu.wait_indirect_dma semaphore(%arg10 : memref<!tpu.dma_semaphore, #tpu.memory_space<semaphore_mem>>) src(%dma_wait3A_188 : memref<50176x128xf32, #tpu.memory_space<hbm>>) dst(%dma_wait3A_183 : memref<32x128xf32, #tpu.memory_space<vmem>>)
    %add3A_189 = arith.constant 96 : i32
    %add3A_190 = arith.addi %mul3A_2, %add3A_189 : i32
    %dma_start3A_191 = arith.constant 96 : i32
    %dma_start3A_192 = arith.constant 0 : i32
    %dma_start3A_193 = tpu.memref_slice %arg6[%dma_start3A_191, %dma_start3A_192] : memref<128x128xf32, #tpu.memory_space<vmem>> -> memref<32x128xf32, #tpu.memory_space<vmem>>
    %dma_start3A_194 = arith.constant 0 : i32
    %dma_start3A_195 = tpu.memref_slice %arg4[%add3A_190, %dma_start3A_194] : memref<4096x128xf32, #tpu.memory_space<hbm>> -> memref<32x128xf32, #tpu.memory_space<hbm>>
    %dma_start3A_196 = arith.constant 0 : i32
    %dma_start3A_197 = tpu.memref_slice %arg4[%add3A_190, %dma_start3A_196] : memref<4096x128xf32, #tpu.memory_space<hbm>> -> memref<32x128xf32, #tpu.memory_space<hbm>>
    %dma_start3A_198 = arith.constant 96 : i32
    %dma_start3A_199 = arith.constant 0 : i32
    %dma_start3A_200 = tpu.memref_slice %arg6[%dma_start3A_198, %dma_start3A_199] : memref<128x128xf32, #tpu.memory_space<vmem>> -> memref<32x128xf32, #tpu.memory_space<vmem>>
    tpu.enqueue_dma source(%dma_start3A_200 : memref<32x128xf32, #tpu.memory_space<vmem>>) target(%dma_start3A_197 : memref<32x128xf32, #tpu.memory_space<hbm>>) target_semaphore(%arg11 : memref<!tpu.dma_semaphore, #tpu.memory_space<semaphore_mem>>)
    %dma_wait3A_201 = arith.constant 0 : i32
    %dma_wait3A_202 = arith.constant 0 : i32
    %dma_wait3A_203 = tpu.memref_slice %arg6[%dma_wait3A_201, %dma_wait3A_202] : memref<128x128xf32, #tpu.memory_space<vmem>> -> memref<32x128xf32, #tpu.memory_space<vmem>>
    %dma_wait3A_204 = arith.constant 0 : i32
    %dma_wait3A_205 = tpu.memref_slice %arg4[%add3A_130, %dma_wait3A_204] : memref<4096x128xf32, #tpu.memory_space<hbm>> -> memref<32x128xf32, #tpu.memory_space<hbm>>
    %dma_wait3A_206 = arith.constant 0 : i32
    %dma_wait3A_207 = tpu.memref_slice %arg4[%add3A_130, %dma_wait3A_206] : memref<4096x128xf32, #tpu.memory_space<hbm>> -> memref<32x128xf32, #tpu.memory_space<hbm>>
    %dma_wait3A_208 = arith.constant 0 : i32
    %dma_wait3A_209 = arith.constant 0 : i32
    %dma_wait3A_210 = tpu.memref_slice %arg6[%dma_wait3A_208, %dma_wait3A_209] : memref<128x128xf32, #tpu.memory_space<vmem>> -> memref<32x128xf32, #tpu.memory_space<vmem>>
    tpu.wait_dma2 semaphore(%arg11 : memref<!tpu.dma_semaphore, #tpu.memory_space<semaphore_mem>>) src(%dma_wait3A_210 : memref<32x128xf32, #tpu.memory_space<vmem>>) dst(%dma_wait3A_207 : memref<32x128xf32, #tpu.memory_space<hbm>>)
    %dma_wait3A_211 = arith.constant 32 : i32
    %dma_wait3A_212 = arith.constant 0 : i32
    %dma_wait3A_213 = tpu.memref_slice %arg6[%dma_wait3A_211, %dma_wait3A_212] : memref<128x128xf32, #tpu.memory_space<vmem>> -> memref<32x128xf32, #tpu.memory_space<vmem>>
    %dma_wait3A_214 = arith.constant 0 : i32
    %dma_wait3A_215 = tpu.memref_slice %arg4[%add3A_150, %dma_wait3A_214] : memref<4096x128xf32, #tpu.memory_space<hbm>> -> memref<32x128xf32, #tpu.memory_space<hbm>>
    %dma_wait3A_216 = arith.constant 0 : i32
    %dma_wait3A_217 = tpu.memref_slice %arg4[%add3A_150, %dma_wait3A_216] : memref<4096x128xf32, #tpu.memory_space<hbm>> -> memref<32x128xf32, #tpu.memory_space<hbm>>
    %dma_wait3A_218 = arith.constant 32 : i32
    %dma_wait3A_219 = arith.constant 0 : i32
    %dma_wait3A_220 = tpu.memref_slice %arg6[%dma_wait3A_218, %dma_wait3A_219] : memref<128x128xf32, #tpu.memory_space<vmem>> -> memref<32x128xf32, #tpu.memory_space<vmem>>
    tpu.wait_dma2 semaphore(%arg11 : memref<!tpu.dma_semaphore, #tpu.memory_space<semaphore_mem>>) src(%dma_wait3A_220 : memref<32x128xf32, #tpu.memory_space<vmem>>) dst(%dma_wait3A_217 : memref<32x128xf32, #tpu.memory_space<hbm>>)
    %dma_wait3A_221 = arith.constant 64 : i32
    %dma_wait3A_222 = arith.constant 0 : i32
    %dma_wait3A_223 = tpu.memref_slice %arg6[%dma_wait3A_221, %dma_wait3A_222] : memref<128x128xf32, #tpu.memory_space<vmem>> -> memref<32x128xf32, #tpu.memory_space<vmem>>
    %dma_wait3A_224 = arith.constant 0 : i32
    %dma_wait3A_225 = tpu.memref_slice %arg4[%add3A_170, %dma_wait3A_224] : memref<4096x128xf32, #tpu.memory_space<hbm>> -> memref<32x128xf32, #tpu.memory_space<hbm>>
    %dma_wait3A_226 = arith.constant 0 : i32
    %dma_wait3A_227 = tpu.memref_slice %arg4[%add3A_170, %dma_wait3A_226] : memref<4096x128xf32, #tpu.memory_space<hbm>> -> memref<32x128xf32, #tpu.memory_space<hbm>>
    %dma_wait3A_228 = arith.constant 64 : i32
    %dma_wait3A_229 = arith.constant 0 : i32
    %dma_wait3A_230 = tpu.memref_slice %arg6[%dma_wait3A_228, %dma_wait3A_229] : memref<128x128xf32, #tpu.memory_space<vmem>> -> memref<32x128xf32, #tpu.memory_space<vmem>>
    tpu.wait_dma2 semaphore(%arg11 : memref<!tpu.dma_semaphore, #tpu.memory_space<semaphore_mem>>) src(%dma_wait3A_230 : memref<32x128xf32, #tpu.memory_space<vmem>>) dst(%dma_wait3A_227 : memref<32x128xf32, #tpu.memory_space<hbm>>)
    %dma_wait3A_231 = arith.constant 96 : i32
    %dma_wait3A_232 = arith.constant 0 : i32
    %dma_wait3A_233 = tpu.memref_slice %arg6[%dma_wait3A_231, %dma_wait3A_232] : memref<128x128xf32, #tpu.memory_space<vmem>> -> memref<32x128xf32, #tpu.memory_space<vmem>>
    %dma_wait3A_234 = arith.constant 0 : i32
    %dma_wait3A_235 = tpu.memref_slice %arg4[%add3A_190, %dma_wait3A_234] : memref<4096x128xf32, #tpu.memory_space<hbm>> -> memref<32x128xf32, #tpu.memory_space<hbm>>
    %dma_wait3A_236 = arith.constant 0 : i32
    %dma_wait3A_237 = tpu.memref_slice %arg4[%add3A_190, %dma_wait3A_236] : memref<4096x128xf32, #tpu.memory_space<hbm>> -> memref<32x128xf32, #tpu.memory_space<hbm>>
    %dma_wait3A_238 = arith.constant 96 : i32
    %dma_wait3A_239 = arith.constant 0 : i32
    %dma_wait3A_240 = tpu.memref_slice %arg6[%dma_wait3A_238, %dma_wait3A_239] : memref<128x128xf32, #tpu.memory_space<vmem>> -> memref<32x128xf32, #tpu.memory_space<vmem>>
    tpu.wait_dma2 semaphore(%arg11 : memref<!tpu.dma_semaphore, #tpu.memory_space<semaphore_mem>>) src(%dma_wait3A_240 : memref<32x128xf32, #tpu.memory_space<vmem>>) dst(%dma_wait3A_237 : memref<32x128xf32, #tpu.memory_space<hbm>>)
    return
  }
}

module attributes {stable_mosaic.version = 14 : i64} {
  func.func @_adj_body(%arg0: memref<16x256x1xi32, #tpu.memory_space<vmem>>, %arg1: memref<16x1x256xi32, #tpu.memory_space<vmem>>, %arg2: memref<16x256x256xf32, #tpu.memory_space<vmem>>) attributes {dimension_semantics = [], scalar_prefetch = 0 : i64, scratch_operands = 0 : i64, tpu.core_type = #tpu.core_type<tc>} {
    %get3A = arith.constant 0 : index
    %get3A_0 = arith.constant 0 : index
    %get3A_1 = arith.constant 0 : index
    %get3A_2 = vector.load %arg0[%get3A, %get3A_0, %get3A_1] : memref<16x256x1xi32, #tpu.memory_space<vmem>>, vector<16x256x1xi32>
    %get3A_3 = arith.constant 0 : index
    %get3A_4 = arith.constant 0 : index
    %get3A_5 = arith.constant 0 : index
    %get3A_6 = vector.load %arg1[%get3A_3, %get3A_4, %get3A_5] : memref<16x1x256xi32, #tpu.memory_space<vmem>>, vector<16x1x256xi32>
    %convert_element_type3A = arith.sitofp %get3A_2 : vector<16x256x1xi32> to vector<16x256x1xf32>
    %div3A = arith.constant 5.600000e+01 : f32
    %div3A_7 = vector.broadcast %div3A : f32 to vector<16x256x1xf32>
    %div3A_8 = arith.divf %convert_element_type3A, %div3A_7 : vector<16x256x1xf32>
    %floor3A = math.floor %div3A_8 : vector<16x256x1xf32>
    %mul3A = arith.constant 5.600000e+01 : f32
    %mul3A_9 = vector.broadcast %mul3A : f32 to vector<16x256x1xf32>
    %mul3A_10 = arith.mulf %floor3A, %mul3A_9 : vector<16x256x1xf32>
    %sub3A = arith.subf %convert_element_type3A, %mul3A_10 : vector<16x256x1xf32>
    %convert_element_type3A_11 = arith.sitofp %get3A_6 : vector<16x1x256xi32> to vector<16x1x256xf32>
    %div3A_12 = arith.constant 5.600000e+01 : f32
    %div3A_13 = vector.broadcast %div3A_12 : f32 to vector<16x1x256xf32>
    %div3A_14 = arith.divf %convert_element_type3A_11, %div3A_13 : vector<16x1x256xf32>
    %floor3A_15 = math.floor %div3A_14 : vector<16x1x256xf32>
    %mul3A_16 = arith.constant 5.600000e+01 : f32
    %mul3A_17 = vector.broadcast %mul3A_16 : f32 to vector<16x1x256xf32>
    %mul3A_18 = arith.mulf %floor3A_15, %mul3A_17 : vector<16x1x256xf32>
    %sub3A_19 = arith.subf %convert_element_type3A_11, %mul3A_18 : vector<16x1x256xf32>
    %sub3A_20 = vector.broadcast %floor3A : vector<16x256x1xf32> to vector<16x256x256xf32>
    %sub3A_21 = vector.broadcast %floor3A_15 : vector<16x1x256xf32> to vector<16x256x256xf32>
    %sub3A_22 = arith.subf %sub3A_20, %sub3A_21 : vector<16x256x256xf32>
    %sub3A_23 = vector.broadcast %sub3A : vector<16x256x1xf32> to vector<16x256x256xf32>
    %sub3A_24 = vector.broadcast %sub3A_19 : vector<16x1x256xf32> to vector<16x256x256xf32>
    %sub3A_25 = arith.subf %sub3A_23, %sub3A_24 : vector<16x256x256xf32>
    %mul3A_26 = arith.mulf %sub3A_22, %sub3A_22 : vector<16x256x256xf32>
    %mul3A_27 = arith.mulf %sub3A_25, %sub3A_25 : vector<16x256x256xf32>
    %add3A = arith.addf %mul3A_26, %mul3A_27 : vector<16x256x256xf32>
    %sqrt3A = math.sqrt %add3A : vector<16x256x256xf32>
    %swap3A = arith.constant 0 : index
    %swap3A_28 = arith.constant 0 : index
    %swap3A_29 = arith.constant 0 : index
    %swap3A_30 = vector.load %arg2[%swap3A, %swap3A_28, %swap3A_29] : memref<16x256x256xf32, #tpu.memory_space<vmem>>, vector<16x256x256xf32>
    tpu.vector_store %arg2[%swap3A, %swap3A_28, %swap3A_29], %sqrt3A {strides = array<i32>} : memref<16x256x256xf32, #tpu.memory_space<vmem>>, vector<16x256x256xf32>,
    return
  }
}

</mosaic_0001>

<sc_bundles>
// kernel: kernel.4.cloned.1.call-start
scs
__scs_entry_jumppad:
0x0: {  	(pc) =	sbr.rel $0x88, $3  }
0x1: {  	(tag) =	ssettag $0x0;
	lr =	simm.s32 $0x1  }
0x2: {  	[smem:$0x3F9F] =	sst lr;
	_ =	strace $0xD0000000  }
0x3: {  	_ = 	snop  }
0x4: {  	_ = 	snop  }
0x5: {  	_ = 	snop  }
0x6: {  	_ = 	snop  }
0x7: {  	_ = 	snop  }
__scs_overlays_trampoline_lowered:
0x8: {  	[smem:$0x3FAE] =	sst s0  }
0x9: {  	[smem:$0x3FAF] =	sst s1  }
0xa: {  	[smem:$0x3FB0] =	sst s2  }
0xb: {  	[smem:$0x3FB1] =	sst s3  }
0xc: {  	[smem:$0x3FB2] =	sst s4  }
0xd: {  	[smem:$0x3FB3] =	sst s5  }
0xe: {  	[smem:$0x3FB4] =	sst s6  }
0xf: {  	[smem:$0x3FB5] =	sst s7  }
0x10: {  	[smem:$0x3FB6] =	sst s8  }
0x11: {  	[smem:$0x3FB7] =	sst s9;
	s0 =	simm.s32 @!p0 $0x0  }
0x12: {  	s1 =	sld [smem:$0x3F9D];
	s0 =	simm.s32 @p0 $0x1  }
0x13: {  	[smem:$0x3FB8] =	sst s0;
	s0 =	simm.s32 @!p1 $0x0  }
0x14: {  	s2 =	sld [smem:$0x3F9C];
	s0 =	simm.s32 @p1 $0x1  }
0x15: {  	[smem:$0x3FB9] =	sst s0;
	s0 =	simm.s32 @!p2 $0x0  }
0x16: {  	s3 =	sld [smem:$0x3FDB];
	s0 =	simm.s32 @p2 $0x1  }
0x17: {  	s4 =	simm.s32 $0x1BF5;
	[smem:$0x3FBB] =	sst s0  }
0x18: {  	s0 =	sld [smem:$0x3F9E];
	_ =	swait.ge [sflag:s4], $0x0  }
0x19: {  	s7 =	sld [smem:$0x3F9F]  }
0x1a: {  	s8 =	sadd.s32 $0xFFFFE003, lr  }
0x1b: {  	s9 =	sadd.s32 $0xFFFFFEF7, lr;
	s5 =	simm.s32 $0xFFFFFFFF;
	p2 =	slt.u32 s8, $0xFFFFF086  }
0x1c: {  	p1 =	slt.u32 s9, $0xF7A;
	s5 =	simm.s32 @!p2 $0x0  }
0x1d: {  	s5 =	simm.s32 @p1 $0x1;
	p0 =	seq.s32 s7, s2  }
0x1e: {  	s7 =	smul.u32 @!p0 $0xF7A, s2;
	p2 =	seq.s32 @!p0 s5, $0x0  }
0x1f: {  	s9 =	smul.u32 $0xF7A, s1;
	s8 =	simm.s32 @!p0 $0x1BF5;
	p2 =	por !p2, p0  }
0x20: {  	[sflag:s8] =	ssyncset.s32 @!p0 $0xFFFFF086;
	s6 =	sadd.s32 @!p0 s3, s7;
	s7 =	simm.s32 @!p0 $0x108  }
0x21: {  	s3 =	sadd.s32 s3, s9;
	s6 =	sadd.s32 @!p0 $0x88, s6;
	s7 =	simm.s32 @p2 $0x1082  }
0x22: {  	[simem:s7], [sflag:s8] =	dma.local @!p0 [hbm:s6], $0xF7A  }
0x23: {  	s9 =	sor.u32 $0xD0000000, s2;
	s6 =	simm.s32 $0x108;
	_ =	swait.ge @!p0 [sflag:s8], $0x0  }
0x24: {  	s3 =	sadd.s32 $0x88, s3;
	s6 =	simm.s32 @!p1 $0x1082;
	[sflag:s4] =	ssyncset.s32 $0xFFFFF086  }
0x25: {  	[simem:s6], [sflag:s4] =	dma.local [hbm:s3], $0xF7A  }
0x26: {  	[smem:$0x3F9F] =	sst s1;
	(tag) =	ssettag s2;
	_ =	strace s9  }
0x27: {  	s1 =	sld [smem:$0x3FAF]  }
0x28: {  	s2 =	sld [smem:$0x3FB0]  }
0x29: {  	s4 =	sld [smem:$0x3FB2]  }
0x2a: {  	p0 =	seq.s32 s5, $0x0;
	s5 =	sld [smem:$0x3FB3]  }
0x2b: {  	s6 =	sld [smem:$0x3FB4]  }
0x2c: {  	s7 =	sld [smem:$0x3FB5]  }
0x2d: {  	s3 =	simm.s32 $0x108;
	s8 =	sld [smem:$0x3FB6]  }
0x2e: {  	s3 =	simm.s32 @!p0 $0x1082;
	s9 =	sld [smem:$0x3FB7]  }
0x2f: {  	lr =	sadd.s32 s0, s3;
	s0 =	sld [smem:$0x3FAE]  }
0x30: {  	s3 =	sld [smem:$0x3FB1]  }
0x31: {  	[smem:$0x3FBA] =	sst s10  }
0x32: {  	s10 =	sld [smem:$0x3FB8];
	_ =	sdelay $0x3  }
0x33: {  	p0 =	seq.s32 s10, $0x1;
	s10 =	sld [smem:$0x3FBA];
	_ =	sdelay $0x3  }
0x34: {  	[smem:$0x3FBA] =	sst s10  }
0x35: {  	s10 =	sld [smem:$0x3FB9];
	_ =	sdelay $0x3  }
0x36: {  	p1 =	seq.s32 s10, $0x1;
	s10 =	sld [smem:$0x3FBA];
	_ =	sdelay $0x3  }
0x37: {  	[smem:$0x3FBA] =	sst s10  }
0x38: {  	s10 =	sld [smem:$0x3FBB]  }
0x39: {  	_ = 	snop;
	(pc) =	sbr.ind lr, $3  }
0x3a: {  	_ = 	snop  }
0x3b: {  	_ = 	snop  }
0x3c: {  	p2 =	seq.s32 s10, $0x1;
	s10 =	sld [smem:$0x3FBA]  }
0x3d: {  	_ =	shalt  }
0x3e: {  	_ =	shalt  }
0x3f: {  	_ =	shalt  }
0x40: {  	_ =	shalt  }
0x41: {  	_ =	shalt  }
0x42: {  	_ =	shalt  }
0x43: {  	_ =	shalt  }
0x44: {  	_ =	shalt  }
0x45: {  	_ =	shalt  }
0x46: {  	_ =	shalt  }
0x47: {  	_ =	shalt  }
0x48: {  	_ =	shalt  }
0x49: {  	_ =	shalt  }
0x4a: {  	_ =	shalt  }
0x4b: {  	_ =	shalt  }
0x4c: {  	_ =	shalt  }
0x4d: {  	_ =	shalt  }
0x4e: {  	_ =	shalt  }
0x4f: {  	_ =	shalt  }
0x50: {  	_ =	shalt  }
0x51: {  	_ =	shalt  }
0x52: {  	_ =	shalt  }
0x53: {  	_ =	shalt  }
0x54: {  	_ =	shalt  }
0x55: {  	_ =	shalt  }
0x56: {  	_ =	shalt  }
0x57: {  	_ =	shalt  }
0x58: {  	_ =	shalt  }
0x59: {  	_ =	shalt  }
0x5a: {  	_ =	shalt  }
0x5b: {  	_ =	shalt  }
0x5c: {  	_ =	shalt  }
0x5d: {  	_ =	shalt  }
0x5e: {  	_ =	shalt  }
0x5f: {  	_ =	shalt  }
0x60: {  	_ =	shalt  }
0x61: {  	_ =	shalt  }
0x62: {  	_ =	shalt  }
0x63: {  	_ =	shalt  }
0x64: {  	_ =	shalt  }
0x65: {  	_ =	shalt  }
0x66: {  	_ =	shalt  }
0x67: {  	_ =	shalt  }
0x68: {  	_ =	shalt  }
0x69: {  	_ =	shalt  }
0x6a: {  	_ =	shalt  }
0x6b: {  	_ =	shalt  }
0x6c: {  	_ =	shalt  }
0x6d: {  	_ =	shalt  }
0x6e: {  	_ =	shalt  }
0x6f: {  	_ =	shalt  }
0x70: {  	_ =	shalt  }
0x71: {  	_ =	shalt  }
0x72: {  	_ =	shalt  }
0x73: {  	_ =	shalt  }
0x74: {  	_ =	shalt  }
0x75: {  	_ =	shalt  }
0x76: {  	_ =	shalt  }
0x77: {  	_ =	shalt  }
0x78: {  	_ =	shalt  }
0x79: {  	_ =	shalt  }
0x7a: {  	_ =	shalt  }
0x7b: {  	_ =	shalt  }
0x7c: {  	_ =	shalt  }
0x7d: {  	_ =	shalt  }
0x7e: {  	_ =	shalt  }
0x7f: {  	_ =	shalt  }
0x80: {  	_ =	shalt  }
0x81: {  	_ =	shalt  }
0x82: {  	_ =	shalt  }
0x83: {  	_ =	shalt  }
0x84: {  	_ =	shalt  }
0x85: {  	_ =	shalt  }
0x86: {  	_ =	shalt  }
0x87: {  	_ =	shalt  }
.Lfunc_end0:
.L_simem_size_0:
called_computation_lowered:
.L_overlay_start_0:
0x88: {  	s2 =	sld [smem:$0x3FD9]  }
0x89: {  	s3 =	sld [smem:$0x3FFE];
	_ =	sdelay $0x1  }
0x8a: {  	s1 =	srdreg.scid  }
0x8b: {  	s0 =	sand.u32 $0x1, s1  }
0x8c: {  	s14 =	sshll.u32 s0, $0xA;
	s2 =	sadd.s32 s3, s2  }
0x8d: {  	s2 =	sadd.s32 s2, s14  }
0x8e: {  	[smem:$0x3FC6] =	sst s2  }
0x8f: {  	_ = 	snop  }
0x90: {  	s2 =	sld [smem:$0x3FD0];
	_ =	sdelay $0x2  }
0x91: {  	s4 =	simm.s32 $0xA;
	s5 =	simm.s32 $0x10;
	s15 =	sld [smem:$0x3FC9]  }
0x92: {  	[smem:s5], [sflag:s4] =	dma.local [hbm:s2], $0x1  }
0x93: {  	_ =	swait.eq [sflag:s4], $0x1  }
0x94: {  	[sflag:s4] =	ssyncset.done $0x0  }
0x95: {  	[sflag:s4] =	ssyncadd.s32 $0xFFFFFFFF  }
0x96: {  	s16 =	sld [smem:$0x10];
	(tm) =	ssettm $0x1  }
0x97: {  	s17 =	sld [smem:$0x3FFB];
	_ =	sdelay $0x3  }
0x98: {  	_ =	strace s17  }
0x99: {  	s4 =	sld [smem:$0x3FFC];
	_ =	sdelay $0x3  }
0x9a: {  	_ =	strace s4  }
0x9b: {  	s4 =	sld [smem:$0x3FFD];
	_ =	sdelay $0x3  }
0x9c: {  	_ =	strace s4  }
0x9d: {  	_ =	strace $0x8FFFFFFF  }
0x9e: {  	s18 =	sld [smem:$0x3FDB];
	_ =	sdelay $0x1  }
0x9f: {  	s19 =	simm.s32 $_scs_section_size  }
0xa0: {  	s6 =	simm.s32 $_size__tile_overlayer_lowered;
	s7 =	simm.s32 $_tile_overlayer_lowered  }
0xa1: {  	s22 =	simm.s32 $0x1BFF;
	s21 =	sshll.u32 s7, $0x1;
	s4 =	sadd.s32 s19, s18  }
0xa2: {  	s8 =	simm.s32 $0x0;
	s20 =	sshll.u32 s6, $0x1;
	s6 =	sadd.s32 s21, s4  }
0xa3: {  	[timem:s8], [sflag:s22] =	dma.local [hbm:s6], s20  }
0xa4: {  	_ =	swait.ge [sflag:s22], s20  }
0xa5: {  	s5 =	ssub.s32 $0x0, s20;
	[sflag:s22] =	ssyncset.done $0x0  }
0xa6: {  	[sflag:s22] =	ssyncadd.s32 s5;
	_ =	sdelay $0x1  }
0xa7: {  	s23 =	simm.s32 $0x1B8B  }
0xa8: {  	_ =	swait.ge [sflag:s23], $0x1  }
0xa9: {  	[sflag:s23] =	ssyncset.done $0x0  }
0xaa: {  	s25 =	simm.s32 $0x1B8E;
	s24 =	sld [smem:$0x3FFE];
	[sflag:s23] =	ssyncadd.s32 $0xFFFFFFFF  }
0xab: {  	s26 =	simm.s32 $execute0_lowered;
	[smem:$0x3FD2] =	sst s25  }
0xac: {  	s6 =	sshll.u32 s26, $0x1;
	_ =	strace $0x80000046;
	[dreg:$0x1] =	wrdreg $0xFFFFFFFF  }
0xad: {  	s28 =	simm.s32 $_size_execute0_lowered;
	s4 =	sadd.s32 s4, s6;
	[dreg:$0x0] =	wrdreg $0x0  }
0xae: {  	s6 =	sshll.u32 s28, $0x1;
	[dreg:$0x2] =	wrdreg s4  }
0xaf: {  	[dreg:$0x3] =	wrdreg s6  }
0xb0: {  	[dreg:$0x4] =	wrdreg $0xC0  }
0xb1: {  	_ =	task [dreg:s8], $0x5FFFF  }
0xb2: {  	[dreg:$0x1] =	wrdreg $0xFFFFFFFF  }
0xb3: {  	[dreg:$0x0] =	wrdreg $0x60  }
0xb4: {  	[dreg:$0x2] =	wrdreg s15  }
0xb5: {  	[dreg:$0x3] =	wrdreg s24  }
0xb6: {  	[dreg:$0x4] =	wrdreg s16  }
0xb7: {  	[dreg:$0x5] =	wrdreg $0x9  }
0xb8: {  	_ =	task.clear_ibuf [dreg:s8], $0x6FFFF;
	_ =	strace $0x90000046  }
0xb9: {  	s29 =	simm.s32 $0x9;
	_ =	strace $0x80000048  }
0xba: {  	_ =	swait.ge [sflag:s29], $0x1  }
0xbb: {  	[sflag:s29] =	ssyncadd.s32 $0xFFFFFFFF  }
0xbc: {  	_ =	strace $0x90000048  }
0xbd: {  	_ =	sfence  }
0xbe: {  	s30 =	sld [smem:$0x0];
	_ =	sdelay $0x2  }
0xbf: {  	s31 =	sshll.u32 s1, $0xD;
	s1 =	sshrl.u32 s1, $0x2  }
0xc0: {  	s3 =	sand.u32 $0x4000, s31;
	s1 =	sadd.s32 s1, s30  }
0xc1: {  	s0 =	sor.u32 s3, s0;
	s1 =	sshll.u32 s1, $0x11  }
0xc2: {  	s0 =	sor.u32 s1, s0  }
0xc3: {  	s0 =	sadd.s32 $0x8F2B, s0  }
0xc4: {  	[sflag:s0] =	ssyncadd.remote.s32 $0x1  }
0xc5: {  	_ =	sfence.sel $0xFFFF  }
0xc6: {  	[dreg:$0x0] =	wrdreg $0xFFFFFFFF;
	(pc) =	sbr.abs _section_cstart, $3  }
0xc7: {  	[dreg:$0x1] =	wrdreg $0xFFFFFFFF  }
0xc8: {  	_ =	task.clear_ibuf [dreg:s8], $0x2FFFF;
	_ =	strace $0x9FFFFFFF  }
0xc9: {  	(tm) =	ssettm $0x7FFFFFFF  }
tec
execute0_lowered:
.L_overlay_start_1:
0x0: {  	(tag) =	ssettag $0x1  }
0x1: {  	s1 =	srdreg.scid  }
0x2: {  	s2 =	rddreg [dreg:$0x0];
	s0 =	stileid.u32;
	s19 =	sand.u32 $0x1, s1  }
0x3: {  	s4 =	rddreg [dreg:$0x1];
	s31 =	sshll.u32 s0, $0x8;
	s3 =	sshll.u32 s19, $0x7  }
0x4: {  	s14 =	rddreg [dreg:$0x2];
	s15 =	sor.u32 s3, s31  }
0x5: {  	s1 =	rddreg [dreg:$0x3];
	s3 =	simm.s32 $0x0;
	s5 =	sshrl.u32 s15, $0x3  }
0x6: {  	[smem:$0x7FF] =	sst s3;
	s4 =	sadd.s32 s5, s4  }
0x7: {  	_ =	strace $0x80000047;
	s5 =	simm.s32 $0x6;
	s4 =	sadd.s32 $0x600, s4  }
0x8: {  	[tilespmem:s3], [sflag:$0x6] =	stream.linear.gather [hbm4b:s4+s3], $0x80, $0x38;
	[tilespmem:$0x4080] =	vst v63  }
0x9: {  	p1 =	seq.s32 s19, $0x1;
	p0 =	seq.s32 s15, $0x0;
	_ =	swait.ge [sflag:s5], $0x80  }
0xa: {  	p0 =	por !p0, !p1;
	[sflag:s5] =	ssyncset.done $0x0  }
0xb: {  	s6 =	simm.s32 $0x1;
	p0 =	por !p0, !p0;
	[sflag:s5] =	ssyncadd.s32 $0xFFFFFF80  }
0xc: {  	s6 =	simm.s32 @!p0 $0x0;
	v1 =	vld [tilespmem:$0x70]  }
0xd: {  	s6 =	ssub.s32 s0, s6;
	v2 =	vld [tilespmem:$0x30]  }
0xe: {  	s6 =	smul.u32 $0xC40, s6;
	v3 =	vld [tilespmem:$0x50]  }
0xf: {  	v5 =	vld [tilespmem:$0x20]  }
0x10: {  	v4 =	vld [tilespmem:$0x60];
	v0 =	vmov s6  }
0x11: {  	v6 =	vld [tilespmem:$0x10];
	v1 =	vadd.s32 v0, v1  }
0x12: {  	v7 =	vld [tilespmem:$0x40];
	v2 =	vadd.s32 v0, v2;
	[tilespmem:$0x70] =	vst v1  }
0x13: {  	v1 =	vld [tilespmem:$0x0];
	[tilespmem:$0x30] =	vst v2;
	v2 =	vadd.s32 v0, v3  }
0x14: {  	v3 =	vadd.s32 v0, v5;
	[tilespmem:$0x50] =	vst v2  }
0x15: {  	v2 =	vadd.s32 v0, v4;
	[tilespmem:$0x20] =	vst v3  }
0x16: {  	[tilespmem:$0x60] =	vst v2;
	v2 =	vadd.s32 v0, v6  }
0x17: {  	[tilespmem:$0x10] =	vst v2;
	v2 =	vadd.s32 v0, v7  }
0x18: {  	[tilespmem:$0x40] =	vst v2;
	v1 =	vadd.s32 v0, v1  }
0x19: {  	s7 =	simm.s32 $0x80;
	s6 =	simm.s32 $0x20;
	[tilespmem:$0x0] =	vst v1  }
0x1a: {  	[tilespmem:s7], [sflag:$0x1] =	stream.indirect.gather [hbm4b:s2+s6], $0x80, s3, s6, $0xb8;
	[tilespmem:$0x4080] =	vst v63  }
0x1b: {  	s8 =	simm.s32 $0x1080  }
0x1c: {  	[tilespmem:s8], [sflag:$0x2] =	stream.indirect.gather [hbm4b:s2+s6], $0x80, s6, s6, $0xb8;
	[tilespmem:$0x4080] =	vst v63  }
0x1d: {  	s9 =	simm.s32 $0x40;
	s10 =	simm.s32 $0x2080  }
0x1e: {  	[tilespmem:s10], [sflag:$0x3] =	stream.indirect.gather [hbm4b:s2+s6], $0x80, s9, s6, $0xb8;
	[tilespmem:$0x4080] =	vst v63  }
0x1f: {  	s11 =	simm.s32 $0x1;
	s12 =	simm.s32 $0x60;
	s13 =	simm.s32 $0x3080  }
0x20: {  	[tilespmem:s13], [sflag:$0x4] =	stream.indirect.gather [hbm4b:s2+s6], $0x80, s12, s6, $0xb8;
	[tilespmem:$0x4080] =	vst v63  }
0x21: {  	_ =	swait.ge [sflag:s11], $0x1000  }
0x22: {  	s15 =	sshll.u32 s15, $0x4;
	[sflag:s11] =	ssyncset.done $0x0  }
0x23: {  	s14 =	sadd.s32 s14, s15;
	s15 =	simm.s32 $0x2;
	[sflag:s11] =	ssyncadd.s32 $0xFFFFF000  }
0x24: {  	[hbm4b:s14+s3] =	stream.linear.scatter [tilespmem:s7], [sflag:$0x5], $0x1000, $0x38;
	[tilespmem:$0x4080] =	vst v63  }
0x25: {  	_ =	swait.ge [sflag:s15], $0x1000  }
0x26: {  	[sflag:s15] =	ssyncset.done $0x0  }
0x27: {  	s17 =	simm.s32 $0x3;
	s16 =	sadd.s32 $0x200, s14;
	[sflag:s15] =	ssyncadd.s32 $0xFFFFF000  }
0x28: {  	[hbm4b:s16+s3] =	stream.linear.scatter [tilespmem:s8], [sflag:$0x5], $0x1000, $0x38;
	[tilespmem:$0x4080] =	vst v63  }
0x29: {  	_ =	swait.ge [sflag:s17], $0x1000  }
0x2a: {  	s20 =	simm.s32 $0x4;
	s22 =	ssub.s32 $0x2, s19;
	[sflag:s17] =	ssyncset.done $0x0  }
0x2b: {  	s23 =	sshrl.u32 s22, $0x1;
	s18 =	sadd.s32 $0x400, s14;
	[sflag:s17] =	ssyncadd.s32 $0xFFFFF000  }
0x2c: {  	[hbm4b:s18+s3] =	stream.linear.scatter [tilespmem:s10], [sflag:$0x5], $0x1000, $0x38;
	[tilespmem:$0x4080] =	vst v63  }
0x2d: {  	s22 =	ssub.s32 s22, s23;
	_ =	swait.ge [sflag:s20], $0x1000  }
0x2e: {  	s22 =	smax.u32 s22, $0x1;
	[sflag:s20] =	ssyncset.done $0x0  }
0x2f: {  	s21 =	sadd.s32 $0x600, s14;
	p0 =	sne.s32 s22, $0x1;
	[sflag:s20] =	ssyncadd.s32 $0xFFFFF000  }
0x30: {  	[hbm4b:s21+s3] =	stream.linear.scatter [tilespmem:s13], [sflag:$0x5], $0x1000, $0x38;
	[tilespmem:$0x4080] =	vst v63  }
.Ltmp0:
0x31: {  	s19 =	simm.s32 $0x5;
	(pc) =	sbr.rel @!p0 .LBB2_2-.Ltmp0, $4  }
0x32: {  	_ =	swait.ge [sflag:s19], $0x1000  }
0x33: {  	[sflag:s19] =	ssyncset.done $0x0  }
0x34: {  	[sflag:s19] =	ssyncadd.s32 $0xFFFFF000  }
0x35: {  	s22 =	sadd.s32 $0xFFFFFFFF, s22;
	_ =	swait.ge [sflag:s19], $0x1000  }
.LBB2_1:
0x36: {  	p0 =	sne.s32 s22, $0x1;
	s22 =	sadd.s32 $0xFFFFFFFF, s22;
	[sflag:s19] =	ssyncset.done $0x0  }
0x37: {  	[sflag:s19] =	ssyncadd.s32 $0xFFFFF000  }
0x38: {  	_ =	swait.ge [sflag:s19], $0x1000  }
0x39: {  	[sflag:s19] =	ssyncset.done $0x0  }
0x3a: {  	[sflag:s19] =	ssyncadd.s32 $0xFFFFF000  }
0x3b: {  	_ =	swait.ge [sflag:s19], $0x1000  }
0x3c: {  	[sflag:s19] =	ssyncset.done $0x0  }
0x3d: {  	[sflag:s19] =	ssyncadd.s32 $0xFFFFF000  }
0x3e: {  	[tilespmem:s3], [sflag:$0x6] =	stream.linear.gather [hbm4b:s4+s3], $0x80, $0x38;
	[tilespmem:$0x4080] =	vst v63  }
0x3f: {  	_ =	swait.ge [sflag:s5], $0x80  }
0x40: {  	[sflag:s5] =	ssyncset.done $0x0  }
0x41: {  	[sflag:s5] =	ssyncadd.s32 $0xFFFFFF80  }
0x42: {  	v1 =	vld [tilespmem:$0x70]  }
0x43: {  	v2 =	vld [tilespmem:$0x30]  }
0x44: {  	v3 =	vld [tilespmem:$0x50]  }
0x45: {  	v4 =	vld [tilespmem:$0x60]  }
0x46: {  	v5 =	vld [tilespmem:$0x20]  }
0x47: {  	v6 =	vld [tilespmem:$0x10];
	v1 =	vadd.s32 v0, v1  }
0x48: {  	v2 =	vadd.s32 v0, v2;
	v7 =	vld [tilespmem:$0x40];
	[tilespmem:$0x70] =	vst v1  }
0x49: {  	v1 =	vld [tilespmem:$0x0];
	[tilespmem:$0x30] =	vst v2;
	v2 =	vadd.s32 v0, v3  }
0x4a: {  	[tilespmem:$0x50] =	vst v2;
	v2 =	vadd.s32 v0, v4  }
0x4b: {  	v3 =	vadd.s32 v0, v5;
	[tilespmem:$0x60] =	vst v2  }
0x4c: {  	v2 =	vadd.s32 v0, v6;
	[tilespmem:$0x20] =	vst v3  }
0x4d: {  	[tilespmem:$0x10] =	vst v2;
	v2 =	vadd.s32 v0, v7  }
0x4e: {  	v1 =	vadd.s32 v0, v1;
	[tilespmem:$0x40] =	vst v2  }
0x4f: {  	[tilespmem:$0x0] =	vst v1  }
0x50: {  	[tilespmem:s7], [sflag:$0x1] =	stream.indirect.gather [hbm4b:s2+s6], $0x80, s3, s6, $0xb8;
	[tilespmem:$0x4080] =	vst v63  }
0x51: {  	_ = 	snop  }
0x52: {  	[tilespmem:s8], [sflag:$0x2] =	stream.indirect.gather [hbm4b:s2+s6], $0x80, s6, s6, $0xb8;
	[tilespmem:$0x4080] =	vst v63  }
0x53: {  	_ = 	snop  }
0x54: {  	[tilespmem:s10], [sflag:$0x3] =	stream.indirect.gather [hbm4b:s2+s6], $0x80, s9, s6, $0xb8;
	[tilespmem:$0x4080] =	vst v63  }
0x55: {  	_ = 	snop  }
0x56: {  	[tilespmem:s13], [sflag:$0x4] =	stream.indirect.gather [hbm4b:s2+s6], $0x80, s12, s6, $0xb8;
	[tilespmem:$0x4080] =	vst v63  }
0x57: {  	_ =	swait.ge [sflag:s11], $0x1000  }
0x58: {  	[sflag:s11] =	ssyncset.done $0x0  }
0x59: {  	[sflag:s11] =	ssyncadd.s32 $0xFFFFF000  }
0x5a: {  	[hbm4b:s14+s3] =	stream.linear.scatter [tilespmem:s7], [sflag:$0x5], $0x1000, $0x38;
	[tilespmem:$0x4080] =	vst v63  }
0x5b: {  	_ =	swait.ge [sflag:s15], $0x1000  }
0x5c: {  	[sflag:s15] =	ssyncset.done $0x0  }
0x5d: {  	[sflag:s15] =	ssyncadd.s32 $0xFFFFF000  }
0x5e: {  	[hbm4b:s16+s3] =	stream.linear.scatter [tilespmem:s8], [sflag:$0x5], $0x1000, $0x38;
	[tilespmem:$0x4080] =	vst v63  }
0x5f: {  	_ =	swait.ge [sflag:s17], $0x1000  }
0x60: {  	[sflag:s17] =	ssyncset.done $0x0  }
0x61: {  	[sflag:s17] =	ssyncadd.s32 $0xFFFFF000  }
0x62: {  	[hbm4b:s18+s3] =	stream.linear.scatter [tilespmem:s10], [sflag:$0x5], $0x1000, $0x38;
	[tilespmem:$0x4080] =	vst v63  }
0x63: {  	_ =	swait.ge [sflag:s20], $0x1000  }
0x64: {  	[sflag:s20] =	ssyncset.done $0x0  }
0x65: {  	[sflag:s20] =	ssyncadd.s32 $0xFFFFF000  }
0x66: {  	[hbm4b:s21+s3] =	stream.linear.scatter [tilespmem:s13], [sflag:$0x5], $0x1000, $0x38;
	[tilespmem:$0x4080] =	vst v63  }
.Ltmp1:
0x67: {  	_ = 	snop;
	(pc) =	sbr.rel @p0 .LBB2_1-.Ltmp1, $4  }
0x68: {  	_ =	swait.ge [sflag:s19], $0x1000  }
0x69: {  	[sflag:s19] =	ssyncset.done $0x0  }
0x6a: {  	[sflag:s19] =	ssyncadd.s32 $0xFFFFF000  }
0x6b: {  	_ =	swait.ge [sflag:s19], $0x1000  }
.LBB2_2:
0x6c: {  	[sflag:s19] =	ssyncset.done $0x0  }
0x6d: {  	[sflag:s19] =	ssyncadd.s32 $0xFFFFF000  }
0x6e: {  	_ =	swait.ge [sflag:s19], $0x1000  }
0x6f: {  	[sflag:s19] =	ssyncset.done $0x0  }
0x70: {  	[sflag:s19] =	ssyncadd.s32 $0xFFFFF000  }
0x71: {  	_ =	swait.ge [sflag:s19], $0x1000  }
0x72: {  	[sflag:s19] =	ssyncset.done $0x0  }
0x73: {  	[sflag:s19] =	ssyncadd.s32 $0xFFFFF000  }
0x74: {  	_ =	sfence.sel $0x180000  }
0x75: {  	[bflag:$0x0] =	sbarrier.arrive $0xFFFF  }
0x76: {  	p0 =	sne.s32 s0, $0x0;
	_ =	strace $0x90000047  }
0x77: {  	s0 =	sadd.s32 @!p0 $0x100000, s1;
	[bflag:$0x2] =	sbarrier.arrive $0xFFFF  }
0x78: {  	[sflag:s0] =	ssyncadd.tile.s32 @!p0 $0x1;
	_ =	shalt  }
.Lfunc_end2:
_tile_overlayer_lowered:
.L_overlay_start_2:
0x79: {  	(tag) =	ssettag $0x2  }
0x7a: {  	s0 =	rddreg [dreg:$0x0];
	s2 =	stileid.u32  }
0x7b: {  	s1 =	rddreg [dreg:$0x1];
	p0 =	sne.s32 s2, $0x0  }
0x7c: {  	s3 =	rddreg [dreg:$0x2];
	[bflag:$0x3] =	sbarrier.arrive $0xFFFF;
	s2 =	simm.s32 @!p0 $0x1C06  }
0x7d: {  	[timem:s3], [sflag:s2] =	dma.local @!p0 [hbm:s0], s1  }
0x7e: {  	s0 =	simm.s32 @!p0 $0x6  }
0x7f: {  	_ =	swait.ge @!p0 [sflag:s0], s1  }
0x80: {  	s1 =	ssub.s32 @!p0 $0x0, s1;
	[sflag:s0] =	ssyncset.done @!p0 $0x0  }
0x81: {  	[sflag:s0] =	ssyncadd.s32 @!p0 s1  }
0x82: {  	[bflag:$0x3] =	sbarrier.arrive $0xFFFF  }
0x83: {  	_ =	shalt  }

</sc_bundles>
